<compile_context>
chip_gen: v7x
topology: tpu7x:2x2x1
jax: 0.10.2.dev20260603
libtpu: 0.0.44.dev20260713+nightly
codegen_flags: <defaults>
</compile_context>

<pallas_src>
import functools

import jax
import jax.numpy as jnp
from jax import lax
from jax.experimental import pallas as pl
from jax.experimental.pallas import tpu as pltpu
from jax.experimental.pallas import tpu_sc as plsc

V, D, H = 100000, 300, 128
B, L = 1024, 200
N = B * L

VBLK = 8448
CH = 128
NW = 32
PER_W = N // NW
NCH = PER_W // CH


def _transform_body(tabT_ref, wp_ref, wgt0_ref, bgt0_ref, wgt1_ref, bgt1_ref,
                    out_ref):
    def matT(a, w_ref):
        return lax.dot_general(a, w_ref[...], (((1,), (1,)), ((), ())),
                               preferred_element_type=jnp.float32)

    e = lax.dot_general(tabT_ref[...], wp_ref[...], (((0,), (1,)), ((), ())),
                        preferred_element_type=jnp.float32)
    for wgt, bgt in ((wgt0_ref, bgt0_ref), (wgt1_ref, bgt1_ref)):
        z = matT(e, wgt) + bgt[...]
        g = jax.nn.sigmoid(z[:, :H])
        t = jnp.maximum(z[:, H:], 0.0)
        e = g * t + (1.0 - g) * e
    out_ref[...] = e


def _transform_table(word_tableT, W_proj, Wgt0, bgt0, Wgt1, bgt1):
    full = lambda shape: pl.BlockSpec(shape, lambda i: (0, 0))
    return pl.pallas_call(
        _transform_body,
        grid=(pl.cdiv(V, VBLK),),
        in_specs=[
            pl.BlockSpec((D, VBLK), lambda i: (0, i)),
            full((H, D)),
            full((2 * H, H)), full((1, 2 * H)),
            full((2 * H, H)), full((1, 2 * H)),
        ],
        out_specs=pl.BlockSpec((VBLK, H), lambda i: (i, 0)),
        out_shape=jax.ShapeDtypeStruct((V, H), jnp.float32),
    )(word_tableT, W_proj, Wgt0, bgt0, Wgt1, bgt1)


SCH = 2 * CH
NSC = PER_W // SCH


def _gather_body(ft_hbm, idx_hbm, out_hbm, idx_v, r0, r1, s0, s1):
    wid = lax.axis_index("s") * 2 + lax.axis_index("c")
    base = wid * PER_W
    pltpu.sync_copy(idx_hbm.at[pl.ds(base, PER_W)], idx_v)
    rows = (r0, r1)
    sems = (s0, s1)

    def start(sc, b):
        o = sc * SCH
        pltpu.async_copy(ft_hbm.at[idx_v.at[pl.ds(o, CH)]],
                         rows[b].at[pl.ds(0, CH)], sems[b])
        pltpu.async_copy(ft_hbm.at[idx_v.at[pl.ds(o + CH, CH)]],
                         rows[b].at[pl.ds(CH, CH)], sems[b])

    def wait(b):
        pltpu.make_async_copy(ft_hbm.at[pl.ds(0, SCH)],
                              rows[b], sems[b]).wait()

    def store(sc, b):
        pltpu.sync_copy(rows[b], out_hbm.at[pl.ds(base + sc * SCH, SCH)])

    start(0, 0)
    start(1, 1)

    def body(j, carry):
        for b in range(2):
            sc = 2 * j + b
            wait(b)
            store(sc, b)
            nsc = sc + 2

            @pl.when(nsc < NSC)
            def _():
                start(nsc, b)
        return carry

    lax.fori_loop(0, NSC // 2, body, 0)
    wait(0)
    store(NSC - 1, 0)


@functools.partial(
    pl.kernel,
    mesh=plsc.VectorSubcoreMesh(core_axis_name="c", subcore_axis_name="s"),
    out_type=jax.ShapeDtypeStruct((N, H), jnp.float32),
    scratch_types=[
        pltpu.VMEM((PER_W,), jnp.int32),
        pltpu.VMEM((SCH, H), jnp.float32),
        pltpu.VMEM((SCH, H), jnp.float32),
        pltpu.SemaphoreType.DMA,
        pltpu.SemaphoreType.DMA,
    ],
)
def _gather_rows(ft_hbm, idx_hbm, out_hbm, idx_v, r0, r1, s0, s1):
    _gather_body(ft_hbm, idx_hbm, out_hbm, idx_v, r0, r1, s0, s1)


def kernel(x, word_table, W_proj, Wg0, bg0, Wt0, bt0, Wg1, bg1, Wt1, bt1):
    ftable = _transform_table(
        word_table.T, W_proj,
        jnp.concatenate([Wg0, Wt0], axis=0),
        jnp.concatenate([bg0, bt0]).reshape(1, 2 * H),
        jnp.concatenate([Wg1, Wt1], axis=0),
        jnp.concatenate([bg1, bt1]).reshape(1, 2 * H))
    idx = x.reshape(N).astype(jnp.int32)
    out = _gather_rows(ftable, idx)
    return out.reshape(B, L, H)

# --- scband reference (transcript-rebuilt; emitter-appended) ---
"""Pipeline reference for scband-embedding-with-char-20581483282972 (READ-ONLY COPY).

The authoritative reference and input builder live on the scoring server;
editing this copy changes nothing except your own understanding.
"""

import jax, jax.numpy as jnp
import numpy as np

V, D, H = 100000, 300, 128
B, L = 1024, 200

def setup_inputs(seed: int = 0) -> dict:
    key = jax.random.key(seed)
    ks = jax.random.split(key, 12)
    x = jax.random.randint(ks[0], (B, L), 0, V)
    word_table = jax.random.normal(ks[1], (V, D), dtype=jnp.float32) * 0.1
    W_proj = jax.random.normal(ks[2], (H, D), dtype=jnp.float32) * 0.05
    Wg0 = jax.random.normal(ks[3], (H, H), dtype=jnp.float32) * 0.05
    bg0 = jnp.zeros((H,), dtype=jnp.float32)
    Wt0 = jax.random.normal(ks[4], (H, H), dtype=jnp.float32) * 0.05
    bt0 = jnp.zeros((H,), dtype=jnp.float32)
    Wg1 = jax.random.normal(ks[5], (H, H), dtype=jnp.float32) * 0.05
    bg1 = jnp.zeros((H,), dtype=jnp.float32)
    Wt1 = jax.random.normal(ks[6], (H, H), dtype=jnp.float32) * 0.05
    bt1 = jnp.zeros((H,), dtype=jnp.float32)
    return {"x": x, "word_table": word_table, "W_proj": W_proj,
            "Wg0": Wg0, "bg0": bg0, "Wt0": Wt0, "bt0": bt0,
            "Wg1": Wg1, "bg1": bg1, "Wt1": Wt1, "bt1": bt1}

def reference(x, word_table, W_proj, Wg0, bg0, Wt0, bt0, Wg1, bg1, Wt1, bt1):
    # word embedding lookup (nn.Embedding.from_pretrained)
    emb = jnp.take(word_table, x, axis=0)  # [B, L, D]
    # dropout is identity at inference (training=False)
    # proj: Linear(D, H, bias=False)
    emb = emb @ W_proj.T  # [B, L, H]
    # 2-layer HighwayEncoder
    for Wg, bg, Wt, bt in ((Wg0, bg0, Wt0, bt0), (Wg1, bg1, Wt1, bt1)):
        g = jax.nn.sigmoid(emb @ Wg.T + bg)
        t = jax.nn.relu(emb @ Wt.T + bt)
        emb = g * t + (1.0 - g) * emb
    return emb

if __name__ == "__main__":
    import jax
    _d = setup_inputs()
    print(jax.jit(kernel)(*tuple(_d.values())))

</pallas_src>

<mosaic_0001>
#map = affine_map<(d0, d1) -> (0, 0)>
#map1 = affine_map<(d0, d1) -> (0)>
module attributes {stable_mosaic.version = 14 : i64} {
  func.func @_gather_rows(%arg0: i32, %arg1: i32, %arg2: memref<100000x128xf32, #tpu.memory_space<hbm>>, %arg3: memref<204800xi32, #tpu.memory_space<hbm>>, %arg4: memref<204800x128xf32, #tpu.memory_space<hbm>>, %arg5: memref<6400xi32, #tpu.memory_space<vmem>>, %arg6: memref<256x128xf32, #tpu.memory_space<vmem>>, %arg7: memref<256x128xf32, #tpu.memory_space<vmem>>, %arg8: memref<!tpu.dma_semaphore, #tpu.memory_space<semaphore_mem>>, %arg9: memref<!tpu.dma_semaphore, #tpu.memory_space<semaphore_mem>>) attributes {dimension_semantics = [#tpu.dimension_semantics<core_parallel>, #tpu.dimension_semantics<subcore_parallel>], iteration_bounds = array<i64: 2, 16>, scalar_prefetch = 0 : i64, scratch_operands = 5 : i64, tpu.core_type = #tpu.core_type<sc_vector_subcore>, window_params = [{transform_indices = #map}, {transform_indices = #map1}, {transform_indices = #map}]} {
    %mul3A = arith.constant 2 : i32
    %mul3A_0 = arith.muli %arg1, %mul3A : i32
    %add3A = arith.addi %mul3A_0, %arg0 : i32
    %mul3A_1 = arith.constant 6400 : i32
    %mul3A_2 = arith.muli %add3A, %mul3A_1 : i32
    "tpu.region"() ({
      %run_scoped3A = tpu.sem_alloc : memref<!tpu.dma_semaphore, #tpu.memory_space<semaphore_mem>>
      %dma_start3A_46 = tpu.memref_slice %arg3[%mul3A_2] : memref<204800xi32, #tpu.memory_space<hbm>> -> memref<6400xi32, #tpu.memory_space<hbm>>
      %dma_start3A_47 = tpu.memref_slice %arg3[%mul3A_2] : memref<204800xi32, #tpu.memory_space<hbm>> -> memref<6400xi32, #tpu.memory_space<hbm>>
      tpu.enqueue_dma source(%dma_start3A_47 : memref<6400xi32, #tpu.memory_space<hbm>>) target(%arg5 : memref<6400xi32, #tpu.memory_space<vmem>>) target_semaphore(%run_scoped3A : memref<!tpu.dma_semaphore, #tpu.memory_space<semaphore_mem>>)
      %dma_wait3A_48 = tpu.memref_slice %arg3[%mul3A_2] : memref<204800xi32, #tpu.memory_space<hbm>> -> memref<6400xi32, #tpu.memory_space<hbm>>
      %dma_wait3A_49 = tpu.memref_slice %arg3[%mul3A_2] : memref<204800xi32, #tpu.memory_space<hbm>> -> memref<6400xi32, #tpu.memory_space<hbm>>
      tpu.wait_dma2 semaphore(%run_scoped3A : memref<!tpu.dma_semaphore, #tpu.memory_space<semaphore_mem>>) src(%dma_wait3A_49 : memref<6400xi32, #tpu.memory_space<hbm>>) dst(%arg5 : memref<6400xi32, #tpu.memory_space<vmem>>)
      tpu.yield
    }) : () -> ()
    %dma_start3A = arith.constant 0 : i32
    %dma_start3A_3 = arith.constant 0 : i32
    %dma_start3A_4 = tpu.memref_slice %arg6[%dma_start3A, %dma_start3A_3] : memref<256x128xf32, #tpu.memory_space<vmem>> -> memref<128x128xf32, #tpu.memory_space<vmem>>
    %dma_start3A_5 = arith.constant 0 : i32
    %dma_start3A_6 = tpu.memref_slice %arg5[%dma_start3A_5] : memref<6400xi32, #tpu.memory_space<vmem>> -> memref<128xi32, #tpu.memory_space<vmem>>
    %dma_start3A_7 = arith.constant 0 : i32
    %dma_start3A_8 = arith.constant 0 : i32
    %dma_start3A_9 = tpu.memref_slice %arg2[%dma_start3A_7, %dma_start3A_8] : memref<100000x128xf32, #tpu.memory_space<hbm>> -> memref<100000x128xf32, #tpu.memory_space<hbm>>
    tpu.enqueue_indirect_dma source(%dma_start3A_9 : memref<100000x128xf32, #tpu.memory_space<hbm>>) target(%dma_start3A_4 : memref<128x128xf32, #tpu.memory_space<vmem>>) offsets(%dma_start3A_6 : memref<128xi32, #tpu.memory_space<vmem>>) semaphore(%arg8 : memref<!tpu.dma_semaphore, #tpu.memory_space<semaphore_mem>>)
    %dma_start3A_10 = arith.constant 128 : i32
    %dma_start3A_11 = arith.constant 0 : i32
    %dma_start3A_12 = tpu.memref_slice %arg6[%dma_start3A_10, %dma_start3A_11] : memref<256x128xf32, #tpu.memory_space<vmem>> -> memref<128x128xf32, #tpu.memory_space<vmem>>
    %dma_start3A_13 = arith.constant 128 : i32
    %dma_start3A_14 = tpu.memref_slice %arg5[%dma_start3A_13] : memref<6400xi32, #tpu.memory_space<vmem>> -> memref<128xi32, #tpu.memory_space<vmem>>
    %dma_start3A_15 = arith.constant 0 : i32
    %dma_start3A_16 = arith.constant 0 : i32
    %dma_start3A_17 = tpu.memref_slice %arg2[%dma_start3A_15, %dma_start3A_16] : memref<100000x128xf32, #tpu.memory_space<hbm>> -> memref<100000x128xf32, #tpu.memory_space<hbm>>
    tpu.enqueue_indirect_dma source(%dma_start3A_17 : memref<100000x128xf32, #tpu.memory_space<hbm>>) target(%dma_start3A_12 : memref<128x128xf32, #tpu.memory_space<vmem>>) offsets(%dma_start3A_14 : memref<128xi32, #tpu.memory_space<vmem>>) semaphore(%arg8 : memref<!tpu.dma_semaphore, #tpu.memory_space<semaphore_mem>>)
    %dma_start3A_18 = arith.constant 0 : i32
    %dma_start3A_19 = arith.constant 0 : i32
    %dma_start3A_20 = tpu.memref_slice %arg7[%dma_start3A_18, %dma_start3A_19] : memref<256x128xf32, #tpu.memory_space<vmem>> -> memref<128x128xf32, #tpu.memory_space<vmem>>
    %dma_start3A_21 = arith.constant 256 : i32
    %dma_start3A_22 = tpu.memref_slice %arg5[%dma_start3A_21] : memref<6400xi32, #tpu.memory_space<vmem>> -> memref<128xi32, #tpu.memory_space<vmem>>
    %dma_start3A_23 = arith.constant 0 : i32
    %dma_start3A_24 = arith.constant 0 : i32
    %dma_start3A_25 = tpu.memref_slice %arg2[%dma_start3A_23, %dma_start3A_24] : memref<100000x128xf32, #tpu.memory_space<hbm>> -> memref<100000x128xf32, #tpu.memory_space<hbm>>
    tpu.enqueue_indirect_dma source(%dma_start3A_25 : memref<100000x128xf32, #tpu.memory_space<hbm>>) target(%dma_start3A_20 : memref<128x128xf32, #tpu.memory_space<vmem>>) offsets(%dma_start3A_22 : memref<128xi32, #tpu.memory_space<vmem>>) semaphore(%arg9 : memref<!tpu.dma_semaphore, #tpu.memory_space<semaphore_mem>>)
    %dma_start3A_26 = arith.constant 128 : i32
    %dma_start3A_27 = arith.constant 0 : i32
    %dma_start3A_28 = tpu.memref_slice %arg7[%dma_start3A_26, %dma_start3A_27] : memref<256x128xf32, #tpu.memory_space<vmem>> -> memref<128x128xf32, #tpu.memory_space<vmem>>
    %dma_start3A_29 = arith.constant 384 : i32
    %dma_start3A_30 = tpu.memref_slice %arg5[%dma_start3A_29] : memref<6400xi32, #tpu.memory_space<vmem>> -> memref<128xi32, #tpu.memory_space<vmem>>
    %dma_start3A_31 = arith.constant 0 : i32
    %dma_start3A_32 = arith.constant 0 : i32
    %dma_start3A_33 = tpu.memref_slice %arg2[%dma_start3A_31, %dma_start3A_32] : memref<100000x128xf32, #tpu.memory_space<hbm>> -> memref<100000x128xf32, #tpu.memory_space<hbm>>
    tpu.enqueue_indirect_dma source(%dma_start3A_33 : memref<100000x128xf32, #tpu.memory_space<hbm>>) target(%dma_start3A_28 : memref<128x128xf32, #tpu.memory_space<vmem>>) offsets(%dma_start3A_30 : memref<128xi32, #tpu.memory_space<vmem>>) semaphore(%arg9 : memref<!tpu.dma_semaphore, #tpu.memory_space<semaphore_mem>>)
    %scan3A = arith.constant 0 : i32
    %scan3A_34 = arith.constant 0 : i32
    %scan3A_35 = arith.constant 12 : i32
    %scan3A_36 = arith.addi %scan3A_34, %scan3A_35 : i32
    %scan3A_37 = arith.constant 1 : i32
    scf.for %scan3A_46 = %scan3A_34 to %scan3A_36 step %scan3A_37  : i32 {
      %mul3A_47 = arith.constant 2 : i32
      %mul3A_48 = arith.muli %mul3A_47, %scan3A_46 : i32
      %add3A_49 = arith.constant 0 : i32
      %add3A_50 = arith.addi %mul3A_48, %add3A_49 : i32
      %dma_wait3A_51 = arith.constant 0 : i32
      %dma_wait3A_52 = arith.constant 0 : i32
      %dma_wait3A_53 = tpu.memref_slice %arg2[%dma_wait3A_51, %dma_wait3A_52] : memref<100000x128xf32, #tpu.memory_space<hbm>> -> memref<256x128xf32, #tpu.memory_space<hbm>>
      %dma_wait3A_54 = arith.constant 0 : i32
      %dma_wait3A_55 = arith.constant 0 : i32
      %dma_wait3A_56 = tpu.memref_slice %arg2[%dma_wait3A_54, %dma_wait3A_55] : memref<100000x128xf32, #tpu.memory_space<hbm>> -> memref<256x128xf32, #tpu.memory_space<hbm>>
      tpu.wait_dma2 semaphore(%arg8 : memref<!tpu.dma_semaphore, #tpu.memory_space<semaphore_mem>>) src(%dma_wait3A_56 : memref<256x128xf32, #tpu.memory_space<hbm>>) dst(%arg6 : memref<256x128xf32, #tpu.memory_space<vmem>>)
      %mul3A_57 = arith.constant 256 : i32
      %mul3A_58 = arith.muli %add3A_50, %mul3A_57 : i32
      %add3A_59 = arith.addi %mul3A_2, %mul3A_58 : i32
      "tpu.region"() ({
        %run_scoped3A = tpu.sem_alloc : memref<!tpu.dma_semaphore, #tpu.memory_space<semaphore_mem>>
        %dma_start3A_84 = arith.constant 0 : i32
        %dma_start3A_85 = tpu.memref_slice %arg4[%add3A_59, %dma_start3A_84] : memref<204800x128xf32, #tpu.memory_space<hbm>> -> memref<256x128xf32, #tpu.memory_space<hbm>>
        %dma_start3A_86 = arith.constant 0 : i32
        %dma_start3A_87 = tpu.memref_slice %arg4[%add3A_59, %dma_start3A_86] : memref<204800x128xf32, #tpu.memory_space<hbm>> -> memref<256x128xf32, #tpu.memory_space<hbm>>
        tpu.enqueue_dma source(%arg6 : memref<256x128xf32, #tpu.memory_space<vmem>>) target(%dma_start3A_87 : memref<256x128xf32, #tpu.memory_space<hbm>>) target_semaphore(%run_scoped3A : memref<!tpu.dma_semaphore, #tpu.memory_space<semaphore_mem>>)
        %dma_wait3A_88 = arith.constant 0 : i32
        %dma_wait3A_89 = tpu.memref_slice %arg4[%add3A_59, %dma_wait3A_88] : memref<204800x128xf32, #tpu.memory_space<hbm>> -> memref<256x128xf32, #tpu.memory_space<hbm>>
        %dma_wait3A_90 = arith.constant 0 : i32
        %dma_wait3A_91 = tpu.memref_slice %arg4[%add3A_59, %dma_wait3A_90] : memref<204800x128xf32, #tpu.memory_space<hbm>> -> memref<256x128xf32, #tpu.memory_space<hbm>>
        tpu.wait_dma2 semaphore(%run_scoped3A : memref<!tpu.dma_semaphore, #tpu.memory_space<semaphore_mem>>) src(%arg6 : memref<256x128xf32, #tpu.memory_space<vmem>>) dst(%dma_wait3A_91 : memref<256x128xf32, #tpu.memory_space<hbm>>)
        tpu.yield
      }) : () -> ()
      %add3A_60 = arith.constant 2 : i32
      %add3A_61 = arith.addi %add3A_50, %add3A_60 : i32
      %lt3A = arith.constant 25 : i32
      %lt3A_62 = arith.cmpi slt, %add3A_61, %lt3A : i32
      %convert_element_type3A = arith.extui %lt3A_62 : i1 to i32
      %cond3A = arith.constant 0 : i32
      %cond3A_63 = arith.cmpi ne, %convert_element_type3A, %cond3A : i32
      scf.if %cond3A_63 {
        %mul3A_84 = arith.constant 256 : i32
        %mul3A_85 = arith.muli %add3A_61, %mul3A_84 : i32
        %dma_start3A_86 = arith.constant 0 : i32
        %dma_start3A_87 = arith.constant 0 : i32
        %dma_start3A_88 = tpu.memref_slice %arg6[%dma_start3A_86, %dma_start3A_87] : memref<256x128xf32, #tpu.memory_space<vmem>> -> memref<128x128xf32, #tpu.memory_space<vmem>>
        %dma_start3A_89 = tpu.memref_slice %arg5[%mul3A_85] : memref<6400xi32, #tpu.memory_space<vmem>> -> memref<128xi32, #tpu.memory_space<vmem>>
        %dma_start3A_90 = arith.constant 0 : i32
        %dma_start3A_91 = arith.constant 0 : i32
        %dma_start3A_92 = tpu.memref_slice %arg2[%dma_start3A_90, %dma_start3A_91] : memref<100000x128xf32, #tpu.memory_space<hbm>> -> memref<100000x128xf32, #tpu.memory_space<hbm>>
        tpu.enqueue_indirect_dma source(%dma_start3A_92 : memref<100000x128xf32, #tpu.memory_space<hbm>>) target(%dma_start3A_88 : memref<128x128xf32, #tpu.memory_space<vmem>>) offsets(%dma_start3A_89 : memref<128xi32, #tpu.memory_space<vmem>>) semaphore(%arg8 : memref<!tpu.dma_semaphore, #tpu.memory_space<semaphore_mem>>)
        %add3A_93 = arith.constant 128 : i32
        %add3A_94 = arith.addi %mul3A_85, %add3A_93 : i32
        %dma_start3A_95 = arith.constant 128 : i32
        %dma_start3A_96 = arith.constant 0 : i32
        %dma_start3A_97 = tpu.memref_slice %arg6[%dma_start3A_95, %dma_start3A_96] : memref<256x128xf32, #tpu.memory_space<vmem>> -> memref<128x128xf32, #tpu.memory_space<vmem>>
        %dma_start3A_98 = tpu.memref_slice %arg5[%add3A_94] : memref<6400xi32, #tpu.memory_space<vmem>> -> memref<128xi32, #tpu.memory_space<vmem>>
        %dma_start3A_99 = arith.constant 0 : i32
        %dma_start3A_100 = arith.constant 0 : i32
        %dma_start3A_101 = tpu.memref_slice %arg2[%dma_start3A_99, %dma_start3A_100] : memref<100000x128xf32, #tpu.memory_space<hbm>> -> memref<100000x128xf32, #tpu.memory_space<hbm>>
        tpu.enqueue_indirect_dma source(%dma_start3A_101 : memref<100000x128xf32, #tpu.memory_space<hbm>>) target(%dma_start3A_97 : memref<128x128xf32, #tpu.memory_space<vmem>>) offsets(%dma_start3A_98 : memref<128xi32, #tpu.memory_space<vmem>>) semaphore(%arg8 : memref<!tpu.dma_semaphore, #tpu.memory_space<semaphore_mem>>)
      } else {
      }
      %mul3A_64 = arith.constant 2 : i32
      %mul3A_65 = arith.muli %mul3A_64, %scan3A_46 : i32
      %add3A_66 = arith.constant 1 : i32
      %add3A_67 = arith.addi %mul3A_65, %add3A_66 : i32
      %dma_wait3A_68 = arith.constant 0 : i32
      %dma_wait3A_69 = arith.constant 0 : i32
      %dma_wait3A_70 = tpu.memref_slice %arg2[%dma_wait3A_68, %dma_wait3A_69] : memref<100000x128xf32, #tpu.memory_space<hbm>> -> memref<256x128xf32, #tpu.memory_space<hbm>>
      %dma_wait3A_71 = arith.constant 0 : i32
      %dma_wait3A_72 = arith.constant 0 : i32
      %dma_wait3A_73 = tpu.memref_slice %arg2[%dma_wait3A_71, %dma_wait3A_72] : memref<100000x128xf32, #tpu.memory_space<hbm>> -> memref<256x128xf32, #tpu.memory_space<hbm>>
      tpu.wait_dma2 semaphore(%arg9 : memref<!tpu.dma_semaphore, #tpu.memory_space<semaphore_mem>>) src(%dma_wait3A_73 : memref<256x128xf32, #tpu.memory_space<hbm>>) dst(%arg7 : memref<256x128xf32, #tpu.memory_space<vmem>>)
      %mul3A_74 = arith.constant 256 : i32
      %mul3A_75 = arith.muli %add3A_67, %mul3A_74 : i32
      %add3A_76 = arith.addi %mul3A_2, %mul3A_75 : i32
      "tpu.region"() ({
        %run_scoped3A = tpu.sem_alloc : memref<!tpu.dma_semaphore, #tpu.memory_space<semaphore_mem>>
        %dma_start3A_84 = arith.constant 0 : i32
        %dma_start3A_85 = tpu.memref_slice %arg4[%add3A_76, %dma_start3A_84] : memref<204800x128xf32, #tpu.memory_space<hbm>> -> memref<256x128xf32, #tpu.memory_space<hbm>>
        %dma_start3A_86 = arith.constant 0 : i32
        %dma_start3A_87 = tpu.memref_slice %arg4[%add3A_76, %dma_start3A_86] : memref<204800x128xf32, #tpu.memory_space<hbm>> -> memref<256x128xf32, #tpu.memory_space<hbm>>
        tpu.enqueue_dma source(%arg7 : memref<256x128xf32, #tpu.memory_space<vmem>>) target(%dma_start3A_87 : memref<256x128xf32, #tpu.memory_space<hbm>>) target_semaphore(%run_scoped3A : memref<!tpu.dma_semaphore, #tpu.memory_space<semaphore_mem>>)
        %dma_wait3A_88 = arith.constant 0 : i32
        %dma_wait3A_89 = tpu.memref_slice %arg4[%add3A_76, %dma_wait3A_88] : memref<204800x128xf32, #tpu.memory_space<hbm>> -> memref<256x128xf32, #tpu.memory_space<hbm>>
        %dma_wait3A_90 = arith.constant 0 : i32
        %dma_wait3A_91 = tpu.memref_slice %arg4[%add3A_76, %dma_wait3A_90] : memref<204800x128xf32, #tpu.memory_space<hbm>> -> memref<256x128xf32, #tpu.memory_space<hbm>>
        tpu.wait_dma2 semaphore(%run_scoped3A : memref<!tpu.dma_semaphore, #tpu.memory_space<semaphore_mem>>) src(%arg7 : memref<256x128xf32, #tpu.memory_space<vmem>>) dst(%dma_wait3A_91 : memref<256x128xf32, #tpu.memory_space<hbm>>)
        tpu.yield
      }) : () -> ()
      %add3A_77 = arith.constant 2 : i32
      %add3A_78 = arith.addi %add3A_67, %add3A_77 : i32
      %lt3A_79 = arith.constant 25 : i32
      %lt3A_80 = arith.cmpi slt, %add3A_78, %lt3A_79 : i32
      %convert_element_type3A_81 = arith.extui %lt3A_80 : i1 to i32
      %cond3A_82 = arith.constant 0 : i32
      %cond3A_83 = arith.cmpi ne, %convert_element_type3A_81, %cond3A_82 : i32
      scf.if %cond3A_83 {
        %mul3A_84 = arith.constant 256 : i32
        %mul3A_85 = arith.muli %add3A_78, %mul3A_84 : i32
        %dma_start3A_86 = arith.constant 0 : i32
        %dma_start3A_87 = arith.constant 0 : i32
        %dma_start3A_88 = tpu.memref_slice %arg7[%dma_start3A_86, %dma_start3A_87] : memref<256x128xf32, #tpu.memory_space<vmem>> -> memref<128x128xf32, #tpu.memory_space<vmem>>
        %dma_start3A_89 = tpu.memref_slice %arg5[%mul3A_85] : memref<6400xi32, #tpu.memory_space<vmem>> -> memref<128xi32, #tpu.memory_space<vmem>>
        %dma_start3A_90 = arith.constant 0 : i32
        %dma_start3A_91 = arith.constant 0 : i32
        %dma_start3A_92 = tpu.memref_slice %arg2[%dma_start3A_90, %dma_start3A_91] : memref<100000x128xf32, #tpu.memory_space<hbm>> -> memref<100000x128xf32, #tpu.memory_space<hbm>>
        tpu.enqueue_indirect_dma source(%dma_start3A_92 : memref<100000x128xf32, #tpu.memory_space<hbm>>) target(%dma_start3A_88 : memref<128x128xf32, #tpu.memory_space<vmem>>) offsets(%dma_start3A_89 : memref<128xi32, #tpu.memory_space<vmem>>) semaphore(%arg9 : memref<!tpu.dma_semaphore, #tpu.memory_space<semaphore_mem>>)
        %add3A_93 = arith.constant 128 : i32
        %add3A_94 = arith.addi %mul3A_85, %add3A_93 : i32
        %dma_start3A_95 = arith.constant 128 : i32
        %dma_start3A_96 = arith.constant 0 : i32
        %dma_start3A_97 = tpu.memref_slice %arg7[%dma_start3A_95, %dma_start3A_96] : memref<256x128xf32, #tpu.memory_space<vmem>> -> memref<128x128xf32, #tpu.memory_space<vmem>>
        %dma_start3A_98 = tpu.memref_slice %arg5[%add3A_94] : memref<6400xi32, #tpu.memory_space<vmem>> -> memref<128xi32, #tpu.memory_space<vmem>>
        %dma_start3A_99 = arith.constant 0 : i32
        %dma_start3A_100 = arith.constant 0 : i32
        %dma_start3A_101 = tpu.memref_slice %arg2[%dma_start3A_99, %dma_start3A_100] : memref<100000x128xf32, #tpu.memory_space<hbm>> -> memref<100000x128xf32, #tpu.memory_space<hbm>>
        tpu.enqueue_indirect_dma source(%dma_start3A_101 : memref<100000x128xf32, #tpu.memory_space<hbm>>) target(%dma_start3A_97 : memref<128x128xf32, #tpu.memory_space<vmem>>) offsets(%dma_start3A_98 : memref<128xi32, #tpu.memory_space<vmem>>) semaphore(%arg9 : memref<!tpu.dma_semaphore, #tpu.memory_space<semaphore_mem>>)
      } else {
      }
    }
    %scan3A_38 = arith.constant 12 : i32
    %dma_wait3A = arith.constant 0 : i32
    %dma_wait3A_39 = arith.constant 0 : i32
    %dma_wait3A_40 = tpu.memref_slice %arg2[%dma_wait3A, %dma_wait3A_39] : memref<100000x128xf32, #tpu.memory_space<hbm>> -> memref<256x128xf32, #tpu.memory_space<hbm>>
    %dma_wait3A_41 = arith.constant 0 : i32
    %dma_wait3A_42 = arith.constant 0 : i32
    %dma_wait3A_43 = tpu.memref_slice %arg2[%dma_wait3A_41, %dma_wait3A_42] : memref<100000x128xf32, #tpu.memory_space<hbm>> -> memref<256x128xf32, #tpu.memory_space<hbm>>
    tpu.wait_dma2 semaphore(%arg8 : memref<!tpu.dma_semaphore, #tpu.memory_space<semaphore_mem>>) src(%dma_wait3A_43 : memref<256x128xf32, #tpu.memory_space<hbm>>) dst(%arg6 : memref<256x128xf32, #tpu.memory_space<vmem>>)
    %add3A_44 = arith.constant 6144 : i32
    %add3A_45 = arith.addi %mul3A_2, %add3A_44 : i32
    "tpu.region"() ({
      %run_scoped3A = tpu.sem_alloc : memref<!tpu.dma_semaphore, #tpu.memory_space<semaphore_mem>>
      %dma_start3A_46 = arith.constant 0 : i32
      %dma_start3A_47 = tpu.memref_slice %arg4[%add3A_45, %dma_start3A_46] : memref<204800x128xf32, #tpu.memory_space<hbm>> -> memref<256x128xf32, #tpu.memory_space<hbm>>
      %dma_start3A_48 = arith.constant 0 : i32
      %dma_start3A_49 = tpu.memref_slice %arg4[%add3A_45, %dma_start3A_48] : memref<204800x128xf32, #tpu.memory_space<hbm>> -> memref<256x128xf32, #tpu.memory_space<hbm>>
      tpu.enqueue_dma source(%arg6 : memref<256x128xf32, #tpu.memory_space<vmem>>) target(%dma_start3A_49 : memref<256x128xf32, #tpu.memory_space<hbm>>) target_semaphore(%run_scoped3A : memref<!tpu.dma_semaphore, #tpu.memory_space<semaphore_mem>>)
      %dma_wait3A_50 = arith.constant 0 : i32
      %dma_wait3A_51 = tpu.memref_slice %arg4[%add3A_45, %dma_wait3A_50] : memref<204800x128xf32, #tpu.memory_space<hbm>> -> memref<256x128xf32, #tpu.memory_space<hbm>>
      %dma_wait3A_52 = arith.constant 0 : i32
      %dma_wait3A_53 = tpu.memref_slice %arg4[%add3A_45, %dma_wait3A_52] : memref<204800x128xf32, #tpu.memory_space<hbm>> -> memref<256x128xf32, #tpu.memory_space<hbm>>
      tpu.wait_dma2 semaphore(%run_scoped3A : memref<!tpu.dma_semaphore, #tpu.memory_space<semaphore_mem>>) src(%arg6 : memref<256x128xf32, #tpu.memory_space<vmem>>) dst(%dma_wait3A_53 : memref<256x128xf32, #tpu.memory_space<hbm>>)
      tpu.yield
    }) : () -> ()
    return
  }
}

module attributes {stable_mosaic.version = 14 : i64} {
  func.func @_transform_body(%arg0: i32, %arg1: memref<300x8448xf32, #tpu.memory_space<vmem>>, %arg2: memref<128x300xf32, #tpu.memory_space<vmem>>, %arg3: memref<256x128xf32, #tpu.memory_space<vmem>>, %arg4: memref<1x256xf32, #tpu.memory_space<vmem>>, %arg5: memref<256x128xf32, #tpu.memory_space<vmem>>, %arg6: memref<1x256xf32, #tpu.memory_space<vmem>>, %arg7: memref<8448x128xf32, #tpu.memory_space<vmem>>) attributes {dimension_semantics = [#tpu.dimension_semantics<arbitrary>], iteration_bounds = array<i64: 12>, scalar_prefetch = 0 : i64, scratch_operands = 0 : i64, tpu.core_type = #tpu.core_type<tc>, window_params = [{transform_indices = @transform_0, window_bounds = array<i64: 300, 8448>}, {pipeline_mode = #tpu.pipeline_mode<synchronous>, transform_indices = @transform_1, window_bounds = array<i64: 128, 300>}, {pipeline_mode = #tpu.pipeline_mode<synchronous>, transform_indices = @transform_2, window_bounds = array<i64: 256, 128>}, {pipeline_mode = #tpu.pipeline_mode<synchronous>, transform_indices = @transform_3, window_bounds = array<i64: 1, 256>}, {pipeline_mode = #tpu.pipeline_mode<synchronous>, transform_indices = @transform_4, window_bounds = array<i64: 256, 128>}, {pipeline_mode = #tpu.pipeline_mode<synchronous>, transform_indices = @transform_5, window_bounds = array<i64: 1, 256>}, {transform_indices = @transform_6, window_bounds = array<i64: 8448, 128>}]} {
    %get3A = arith.constant 0 : index
    %get3A_0 = arith.constant 0 : index
    %get3A_1 = vector.load %arg1[%get3A, %get3A_0] : memref<300x8448xf32, #tpu.memory_space<vmem>>, vector<300x8448xf32>
    %get3A_2 = arith.constant 0 : index
    %get3A_3 = arith.constant 0 : index
    %get3A_4 = vector.load %arg2[%get3A_2, %get3A_3] : memref<128x300xf32, #tpu.memory_space<vmem>>, vector<128x300xf32>
    %dot_general3A = arith.constant dense<0.000000e+00> : vector<8448x128xf32>
    %dot_general3A_5 = tpu.matmul %get3A_1, %get3A_4, %dot_general3A {dimension_numbers = #tpu.dot_dimension_numbers<[0], [1], [1], [0], [0, 1, 1, 0], [], []>, transpose_lhs_hint = false} : vector<300x8448xf32>, vector<128x300xf32>, vector<8448x128xf32> -> vector<8448x128xf32>
    %get3A_6 = arith.constant 0 : index
    %get3A_7 = arith.constant 0 : index
    %get3A_8 = vector.load %arg3[%get3A_6, %get3A_7] : memref<256x128xf32, #tpu.memory_space<vmem>>, vector<256x128xf32>
    %dot_general3A_9 = arith.constant dense<0.000000e+00> : vector<8448x256xf32>
    %dot_general3A_10 = tpu.matmul %dot_general3A_5, %get3A_8, %dot_general3A_9 {dimension_numbers = #tpu.dot_dimension_numbers<[1], [1], [0], [0], [0, 0, 1, 0], [], []>, transpose_lhs_hint = false} : vector<8448x128xf32>, vector<256x128xf32>, vector<8448x256xf32> -> vector<8448x256xf32>
    %get3A_11 = arith.constant 0 : index
    %get3A_12 = arith.constant 0 : index
    %get3A_13 = vector.load %arg4[%get3A_11, %get3A_12] : memref<1x256xf32, #tpu.memory_space<vmem>>, vector<1x256xf32>
    %add3A = vector.broadcast %get3A_13 : vector<1x256xf32> to vector<8448x256xf32>
    %add3A_14 = arith.addf %dot_general3A_10, %add3A : vector<8448x256xf32>
    %slice3A = vector.extract_strided_slice %add3A_14 {offsets = [0, 0], sizes = [8448, 128], strides = [1, 1]} : vector<8448x256xf32> to vector<8448x128xf32>
    %logistic3A = arith.negf %slice3A : vector<8448x128xf32>
    %logistic3A_15 = math.exp %logistic3A : vector<8448x128xf32>
    %logistic3A_16 = arith.constant 1.000000e+00 : f32
    %logistic3A_17 = vector.broadcast %logistic3A_16 : f32 to vector<8448x128xf32>
    %logistic3A_18 = arith.addf %logistic3A_17, %logistic3A_15 : vector<8448x128xf32>
    %logistic3A_19 = arith.divf %logistic3A_17, %logistic3A_18 : vector<8448x128xf32>
    %slice3A_20 = vector.extract_strided_slice %add3A_14 {offsets = [0, 128], sizes = [8448, 128], strides = [1, 1]} : vector<8448x256xf32> to vector<8448x128xf32>
    %max3A = arith.constant 0.000000e+00 : f32
    %max3A_21 = vector.broadcast %max3A : f32 to vector<8448x128xf32>
    %max3A_22 = arith.maximumf %slice3A_20, %max3A_21 : vector<8448x128xf32>
    %mul3A = arith.mulf %logistic3A_19, %max3A_22 : vector<8448x128xf32>
    %sub3A = arith.constant 1.000000e+00 : f32
    %sub3A_23 = vector.broadcast %sub3A : f32 to vector<8448x128xf32>
    %sub3A_24 = arith.subf %sub3A_23, %logistic3A_19 : vector<8448x128xf32>
    %mul3A_25 = arith.mulf %sub3A_24, %dot_general3A_5 : vector<8448x128xf32>
    %add3A_26 = arith.addf %mul3A, %mul3A_25 : vector<8448x128xf32>
    %get3A_27 = arith.constant 0 : index
    %get3A_28 = arith.constant 0 : index
    %get3A_29 = vector.load %arg5[%get3A_27, %get3A_28] : memref<256x128xf32, #tpu.memory_space<vmem>>, vector<256x128xf32>
    %dot_general3A_30 = arith.constant dense<0.000000e+00> : vector<8448x256xf32>
    %dot_general3A_31 = tpu.matmul %add3A_26, %get3A_29, %dot_general3A_30 {dimension_numbers = #tpu.dot_dimension_numbers<[1], [1], [0], [0], [0, 0, 1, 0], [], []>, transpose_lhs_hint = false} : vector<8448x128xf32>, vector<256x128xf32>, vector<8448x256xf32> -> vector<8448x256xf32>
    %get3A_32 = arith.constant 0 : index
    %get3A_33 = arith.constant 0 : index
    %get3A_34 = vector.load %arg6[%get3A_32, %get3A_33] : memref<1x256xf32, #tpu.memory_space<vmem>>, vector<1x256xf32>
    %add3A_35 = vector.broadcast %get3A_34 : vector<1x256xf32> to vector<8448x256xf32>
    %add3A_36 = arith.addf %dot_general3A_31, %add3A_35 : vector<8448x256xf32>
    %slice3A_37 = vector.extract_strided_slice %add3A_36 {offsets = [0, 0], sizes = [8448, 128], strides = [1, 1]} : vector<8448x256xf32> to vector<8448x128xf32>
    %logistic3A_38 = arith.negf %slice3A_37 : vector<8448x128xf32>
    %logistic3A_39 = math.exp %logistic3A_38 : vector<8448x128xf32>
    %logistic3A_40 = arith.constant 1.000000e+00 : f32
    %logistic3A_41 = vector.broadcast %logistic3A_40 : f32 to vector<8448x128xf32>
    %logistic3A_42 = arith.addf %logistic3A_41, %logistic3A_39 : vector<8448x128xf32>
    %logistic3A_43 = arith.divf %logistic3A_41, %logistic3A_42 : vector<8448x128xf32>
    %slice3A_44 = vector.extract_strided_slice %add3A_36 {offsets = [0, 128], sizes = [8448, 128], strides = [1, 1]} : vector<8448x256xf32> to vector<8448x128xf32>
    %max3A_45 = arith.constant 0.000000e+00 : f32
    %max3A_46 = vector.broadcast %max3A_45 : f32 to vector<8448x128xf32>
    %max3A_47 = arith.maximumf %slice3A_44, %max3A_46 : vector<8448x128xf32>
    %mul3A_48 = arith.mulf %logistic3A_43, %max3A_47 : vector<8448x128xf32>
    %sub3A_49 = arith.constant 1.000000e+00 : f32
    %sub3A_50 = vector.broadcast %sub3A_49 : f32 to vector<8448x128xf32>
    %sub3A_51 = arith.subf %sub3A_50, %logistic3A_43 : vector<8448x128xf32>
    %mul3A_52 = arith.mulf %sub3A_51, %add3A_26 : vector<8448x128xf32>
    %add3A_53 = arith.addf %mul3A_48, %mul3A_52 : vector<8448x128xf32>
    %swap3A = arith.constant 0 : index
    %swap3A_54 = arith.constant 0 : index
    %swap3A_55 = vector.load %arg7[%swap3A, %swap3A_54] : memref<8448x128xf32, #tpu.memory_space<vmem>>, vector<8448x128xf32>
    tpu.vector_store %arg7[%swap3A, %swap3A_54], %add3A_53 {strides = array<i32>} : memref<8448x128xf32, #tpu.memory_space<vmem>>, vector<8448x128xf32>,
    return
  }
  func.func @transform_0(%arg0: i32) -> (i32, i32) {
    %c0_i32 = arith.constant 0 : i32
    %c0_i32_0 = arith.constant 0 : i32
    return %c0_i32, %arg0 : i32, i32
  }
  func.func @transform_1(%arg0: i32) -> (i32, i32) {
    %c0_i32 = arith.constant 0 : i32
    %c0_i32_0 = arith.constant 0 : i32
    %c0_i32_1 = arith.constant 0 : i32
    return %c0_i32, %c0_i32_0 : i32, i32
  }
  func.func @transform_2(%arg0: i32) -> (i32, i32) {
    %c0_i32 = arith.constant 0 : i32
    %c0_i32_0 = arith.constant 0 : i32
    %c0_i32_1 = arith.constant 0 : i32
    return %c0_i32, %c0_i32_0 : i32, i32
  }
  func.func @transform_3(%arg0: i32) -> (i32, i32) {
    %c0_i32 = arith.constant 0 : i32
    %c0_i32_0 = arith.constant 0 : i32
    %c0_i32_1 = arith.constant 0 : i32
    return %c0_i32, %c0_i32_0 : i32, i32
  }
  func.func @transform_4(%arg0: i32) -> (i32, i32) {
    %c0_i32 = arith.constant 0 : i32
    %c0_i32_0 = arith.constant 0 : i32
    %c0_i32_1 = arith.constant 0 : i32
    return %c0_i32, %c0_i32_0 : i32, i32
  }
  func.func @transform_5(%arg0: i32) -> (i32, i32) {
    %c0_i32 = arith.constant 0 : i32
    %c0_i32_0 = arith.constant 0 : i32
    %c0_i32_1 = arith.constant 0 : i32
    return %c0_i32, %c0_i32_0 : i32, i32
  }
  func.func @transform_6(%arg0: i32) -> (i32, i32) {
    %c0_i32 = arith.constant 0 : i32
    %c0_i32_0 = arith.constant 0 : i32
    return %arg0, %c0_i32 : i32, i32
  }
}

</mosaic_0001>

<sc_bundles>
// kernel: kernel.4.cloned.1.call-start
scs
__scs_entry_jumppad:
0x0: {  	(pc) =	sbr.rel $0x88, $3  }
0x1: {  	(tag) =	ssettag $0x0;
	lr =	simm.s32 $0x1  }
0x2: {  	[smem:$0x3F96] =	sst lr;
	_ =	strace $0xD0000000  }
0x3: {  	_ = 	snop  }
0x4: {  	_ = 	snop  }
0x5: {  	_ = 	snop  }
0x6: {  	_ = 	snop  }
0x7: {  	_ = 	snop  }
__scs_overlays_trampoline_lowered:
0x8: {  	[smem:$0x3FA5] =	sst s0  }
0x9: {  	[smem:$0x3FA6] =	sst s1  }
0xa: {  	[smem:$0x3FA7] =	sst s2  }
0xb: {  	[smem:$0x3FA8] =	sst s3  }
0xc: {  	[smem:$0x3FA9] =	sst s4  }
0xd: {  	[smem:$0x3FAA] =	sst s5  }
0xe: {  	[smem:$0x3FAB] =	sst s6  }
0xf: {  	[smem:$0x3FAC] =	sst s7  }
0x10: {  	[smem:$0x3FAD] =	sst s8  }
0x11: {  	[smem:$0x3FAE] =	sst s9;
	s0 =	simm.s32 @!p0 $0x0  }
0x12: {  	s1 =	sld [smem:$0x3F94];
	s0 =	simm.s32 @p0 $0x1  }
0x13: {  	[smem:$0x3FAF] =	sst s0;
	s0 =	simm.s32 @!p1 $0x0  }
0x14: {  	s2 =	sld [smem:$0x3F93];
	s0 =	simm.s32 @p1 $0x1  }
0x15: {  	[smem:$0x3FB0] =	sst s0;
	s0 =	simm.s32 @!p2 $0x0  }
0x16: {  	s3 =	sld [smem:$0x3FDB];
	s0 =	simm.s32 @p2 $0x1  }
0x17: {  	s4 =	simm.s32 $0x1BF5;
	[smem:$0x3FB2] =	sst s0  }
0x18: {  	s0 =	sld [smem:$0x3F95];
	_ =	swait.ge [sflag:s4], $0x0  }
0x19: {  	s7 =	sld [smem:$0x3F96]  }
0x1a: {  	s8 =	sadd.s32 $0xFFFFE003, lr  }
0x1b: {  	s9 =	sadd.s32 $0xFFFFFEF7, lr;
	s5 =	simm.s32 $0xFFFFFFFF;
	p2 =	slt.u32 s8, $0xFFFFF086  }
0x1c: {  	p1 =	slt.u32 s9, $0xF7A;
	s5 =	simm.s32 @!p2 $0x0  }
0x1d: {  	s5 =	simm.s32 @p1 $0x1;
	p0 =	seq.s32 s7, s2  }
0x1e: {  	s7 =	smul.u32 @!p0 $0xF7A, s2;
	p2 =	seq.s32 @!p0 s5, $0x0  }
0x1f: {  	s9 =	smul.u32 $0xF7A, s1;
	s8 =	simm.s32 @!p0 $0x1BF5;
	p2 =	por !p2, p0  }
0x20: {  	[sflag:s8] =	ssyncset.s32 @!p0 $0xFFFFF086;
	s6 =	sadd.s32 @!p0 s3, s7;
	s7 =	simm.s32 @!p0 $0x108  }
0x21: {  	s3 =	sadd.s32 s3, s9;
	s6 =	sadd.s32 @!p0 $0x88, s6;
	s7 =	simm.s32 @p2 $0x1082  }
0x22: {  	[simem:s7], [sflag:s8] =	dma.local @!p0 [hbm:s6], $0xF7A  }
0x23: {  	s9 =	sor.u32 $0xD0000000, s2;
	s6 =	simm.s32 $0x108;
	_ =	swait.ge @!p0 [sflag:s8], $0x0  }
0x24: {  	s3 =	sadd.s32 $0x88, s3;
	s6 =	simm.s32 @!p1 $0x1082;
	[sflag:s4] =	ssyncset.s32 $0xFFFFF086  }
0x25: {  	[simem:s6], [sflag:s4] =	dma.local [hbm:s3], $0xF7A  }
0x26: {  	[smem:$0x3F96] =	sst s1;
	(tag) =	ssettag s2;
	_ =	strace s9  }
0x27: {  	s1 =	sld [smem:$0x3FA6]  }
0x28: {  	s2 =	sld [smem:$0x3FA7]  }
0x29: {  	s4 =	sld [smem:$0x3FA9]  }
0x2a: {  	p0 =	seq.s32 s5, $0x0;
	s5 =	sld [smem:$0x3FAA]  }
0x2b: {  	s6 =	sld [smem:$0x3FAB]  }
0x2c: {  	s7 =	sld [smem:$0x3FAC]  }
0x2d: {  	s3 =	simm.s32 $0x108;
	s8 =	sld [smem:$0x3FAD]  }
0x2e: {  	s3 =	simm.s32 @!p0 $0x1082;
	s9 =	sld [smem:$0x3FAE]  }
0x2f: {  	lr =	sadd.s32 s0, s3;
	s0 =	sld [smem:$0x3FA5]  }
0x30: {  	s3 =	sld [smem:$0x3FA8]  }
0x31: {  	[smem:$0x3FB1] =	sst s10  }
0x32: {  	s10 =	sld [smem:$0x3FAF];
	_ =	sdelay $0x3  }
0x33: {  	p0 =	seq.s32 s10, $0x1;
	s10 =	sld [smem:$0x3FB1];
	_ =	sdelay $0x3  }
0x34: {  	[smem:$0x3FB1] =	sst s10  }
0x35: {  	s10 =	sld [smem:$0x3FB0];
	_ =	sdelay $0x3  }
0x36: {  	p1 =	seq.s32 s10, $0x1;
	s10 =	sld [smem:$0x3FB1];
	_ =	sdelay $0x3  }
0x37: {  	[smem:$0x3FB1] =	sst s10  }
0x38: {  	s10 =	sld [smem:$0x3FB2]  }
0x39: {  	_ = 	snop;
	(pc) =	sbr.ind lr, $3  }
0x3a: {  	_ = 	snop  }
0x3b: {  	_ = 	snop  }
0x3c: {  	p2 =	seq.s32 s10, $0x1;
	s10 =	sld [smem:$0x3FB1]  }
0x3d: {  	_ =	shalt  }
0x3e: {  	_ =	shalt  }
0x3f: {  	_ =	shalt  }
0x40: {  	_ =	shalt  }
0x41: {  	_ =	shalt  }
0x42: {  	_ =	shalt  }
0x43: {  	_ =	shalt  }
0x44: {  	_ =	shalt  }
0x45: {  	_ =	shalt  }
0x46: {  	_ =	shalt  }
0x47: {  	_ =	shalt  }
0x48: {  	_ =	shalt  }
0x49: {  	_ =	shalt  }
0x4a: {  	_ =	shalt  }
0x4b: {  	_ =	shalt  }
0x4c: {  	_ =	shalt  }
0x4d: {  	_ =	shalt  }
0x4e: {  	_ =	shalt  }
0x4f: {  	_ =	shalt  }
0x50: {  	_ =	shalt  }
0x51: {  	_ =	shalt  }
0x52: {  	_ =	shalt  }
0x53: {  	_ =	shalt  }
0x54: {  	_ =	shalt  }
0x55: {  	_ =	shalt  }
0x56: {  	_ =	shalt  }
0x57: {  	_ =	shalt  }
0x58: {  	_ =	shalt  }
0x59: {  	_ =	shalt  }
0x5a: {  	_ =	shalt  }
0x5b: {  	_ =	shalt  }
0x5c: {  	_ =	shalt  }
0x5d: {  	_ =	shalt  }
0x5e: {  	_ =	shalt  }
0x5f: {  	_ =	shalt  }
0x60: {  	_ =	shalt  }
0x61: {  	_ =	shalt  }
0x62: {  	_ =	shalt  }
0x63: {  	_ =	shalt  }
0x64: {  	_ =	shalt  }
0x65: {  	_ =	shalt  }
0x66: {  	_ =	shalt  }
0x67: {  	_ =	shalt  }
0x68: {  	_ =	shalt  }
0x69: {  	_ =	shalt  }
0x6a: {  	_ =	shalt  }
0x6b: {  	_ =	shalt  }
0x6c: {  	_ =	shalt  }
0x6d: {  	_ =	shalt  }
0x6e: {  	_ =	shalt  }
0x6f: {  	_ =	shalt  }
0x70: {  	_ =	shalt  }
0x71: {  	_ =	shalt  }
0x72: {  	_ =	shalt  }
0x73: {  	_ =	shalt  }
0x74: {  	_ =	shalt  }
0x75: {  	_ =	shalt  }
0x76: {  	_ =	shalt  }
0x77: {  	_ =	shalt  }
0x78: {  	_ =	shalt  }
0x79: {  	_ =	shalt  }
0x7a: {  	_ =	shalt  }
0x7b: {  	_ =	shalt  }
0x7c: {  	_ =	shalt  }
0x7d: {  	_ =	shalt  }
0x7e: {  	_ =	shalt  }
0x7f: {  	_ =	shalt  }
0x80: {  	_ =	shalt  }
0x81: {  	_ =	shalt  }
0x82: {  	_ =	shalt  }
0x83: {  	_ =	shalt  }
0x84: {  	_ =	shalt  }
0x85: {  	_ =	shalt  }
0x86: {  	_ =	shalt  }
0x87: {  	_ =	shalt  }
.Lfunc_end0:
.L_simem_size_0:
called_computation_lowered:
.L_overlay_start_0:
0x88: {  	s2 =	sld [smem:$0x3FD9]  }
0x89: {  	s3 =	sld [smem:$0x3FFE];
	_ =	sdelay $0x1  }
0x8a: {  	s1 =	srdreg.scid  }
0x8b: {  	s0 =	sand.u32 $0x1, s1  }
0x8c: {  	s17 =	sshll.u32 s0, $0xA;
	s2 =	sadd.s32 s3, s2  }
0x8d: {  	s2 =	sadd.s32 s2, s17  }
0x8e: {  	[smem:$0x3FBD] =	sst s2  }
0x8f: {  	_ = 	snop  }
0x90: {  	s2 =	sld [smem:$0x3FD0];
	(tm) =	ssettm $0x1  }
0x91: {  	s18 =	sld [smem:$0x3FFB];
	_ =	sdelay $0x3  }
0x92: {  	_ =	strace s18  }
0x93: {  	s3 =	sld [smem:$0x3FFC];
	_ =	sdelay $0x3  }
0x94: {  	_ =	strace s3  }
0x95: {  	s3 =	sld [smem:$0x3FFD];
	_ =	sdelay $0x3  }
0x96: {  	_ =	strace s3  }
0x97: {  	_ =	strace $0x8FFFFFFF  }
0x98: {  	s19 =	sld [smem:$0x3FDB];
	_ =	sdelay $0x1  }
0x99: {  	s4 =	simm.s32 $_scs_section_size  }
0x9a: {  	s5 =	simm.s32 $_size__tile_overlayer_lowered;
	s6 =	simm.s32 $_tile_overlayer_lowered  }
0x9b: {  	s22 =	simm.s32 $0x1BFF;
	s21 =	sshll.u32 s6, $0x1;
	s3 =	sadd.s32 s4, s19  }
0x9c: {  	s7 =	simm.s32 $0x0;
	s20 =	sshll.u32 s5, $0x1;
	s5 =	sadd.s32 s21, s3  }
0x9d: {  	[timem:s7], [sflag:s22] =	dma.local [hbm:s5], s20  }
0x9e: {  	_ =	swait.ge [sflag:s22], s20  }
0x9f: {  	s4 =	ssub.s32 $0x0, s20;
	[sflag:s22] =	ssyncset.done $0x0  }
0xa0: {  	[sflag:s22] =	ssyncadd.s32 s4;
	_ =	sdelay $0x1  }
0xa1: {  	s23 =	simm.s32 $0x1B8B  }
0xa2: {  	_ =	swait.ge [sflag:s23], $0x1  }
0xa3: {  	[sflag:s23] =	ssyncset.done $0x0  }
0xa4: {  	s25 =	simm.s32 $0x1B8E;
	s24 =	sld [smem:$0x3FFE];
	[sflag:s23] =	ssyncadd.s32 $0xFFFFFFFF  }
0xa5: {  	s26 =	simm.s32 $execute0_lowered;
	[smem:$0x3FD2] =	sst s25  }
0xa6: {  	s5 =	sshll.u32 s26, $0x1;
	_ =	strace $0x80000046;
	[dreg:$0x1] =	wrdreg $0xFFFFFFFF  }
0xa7: {  	s28 =	simm.s32 $_size_execute0_lowered;
	s3 =	sadd.s32 s3, s5;
	[dreg:$0x0] =	wrdreg $0x0  }
0xa8: {  	s5 =	sshll.u32 s28, $0x1;
	[dreg:$0x2] =	wrdreg s3  }
0xa9: {  	[dreg:$0x3] =	wrdreg s5  }
0xaa: {  	[dreg:$0x4] =	wrdreg $0xC0  }
0xab: {  	_ =	task [dreg:s7], $0x5FFFF  }
0xac: {  	[dreg:$0x1] =	wrdreg $0xFFFFFFFF  }
0xad: {  	[dreg:$0x0] =	wrdreg $0x60  }
0xae: {  	[dreg:$0x2] =	wrdreg s24  }
0xaf: {  	[dreg:$0x3] =	wrdreg s2  }
0xb0: {  	[dreg:$0x4] =	wrdreg $0x9  }
0xb1: {  	_ =	task.clear_ibuf [dreg:s7], $0x5FFFF;
	_ =	strace $0x90000046  }
0xb2: {  	s29 =	simm.s32 $0x9;
	_ =	strace $0x80000048  }
0xb3: {  	_ =	swait.ge [sflag:s29], $0x1  }
0xb4: {  	[sflag:s29] =	ssyncadd.s32 $0xFFFFFFFF  }
0xb5: {  	_ =	strace $0x90000048  }
0xb6: {  	_ =	sfence  }
0xb7: {  	s30 =	sld [smem:$0x0];
	_ =	sdelay $0x2  }
0xb8: {  	s31 =	sshll.u32 s1, $0xD;
	s1 =	sshrl.u32 s1, $0x2  }
0xb9: {  	s3 =	sand.u32 $0x4000, s31;
	s1 =	sadd.s32 s1, s30  }
0xba: {  	s0 =	sor.u32 s3, s0;
	s1 =	sshll.u32 s1, $0x11  }
0xbb: {  	s0 =	sor.u32 s1, s0  }
0xbc: {  	s0 =	sadd.s32 $0x8F2B, s0  }
0xbd: {  	[sflag:s0] =	ssyncadd.remote.s32 $0x1  }
0xbe: {  	_ =	sfence.sel $0xFFFF  }
0xbf: {  	[dreg:$0x0] =	wrdreg $0xFFFFFFFF;
	(pc) =	sbr.abs _section_cstart, $3  }
0xc0: {  	[dreg:$0x1] =	wrdreg $0xFFFFFFFF  }
0xc1: {  	_ =	task.clear_ibuf [dreg:s7], $0x2FFFF;
	_ =	strace $0x9FFFFFFF  }
0xc2: {  	(tm) =	ssettm $0x7FFFFFFF  }
0xc3: {  	_ =	shalt  }
tec
execute0_lowered:
.L_overlay_start_1:
0x0: {  	(tag) =	ssettag $0x1  }
0x1: {  	s4 =	rddreg [dreg:$0x0]  }
0x2: {  	s1 =	srdreg.scid;
	s0 =	stileid.u32  }
0x3: {  	s9 =	rddreg [dreg:$0x1];
	s2 =	simm.s32 $0x0;
	s15 =	simm.s32 $0x100  }
0x4: {  	s16 =	simm.s32 $0x9900;
	s17 =	simm.s32 $0x180;
	s18 =	simm.s32 $0xD900  }
0x5: {  	s19 =	simm.s32 $0x1;
	s20 =	simm.s32 $0x2;
	s11 =	smul.u32 $0x190000, s0  }
0x6: {  	s21 =	simm.s32 $0x1800;
	s8 =	sand.u32 $0x1, s1;
	s13 =	smul.u32 $0x32000, s0  }
0x7: {  	s22 =	simm.s32 $0x1880;
	s3 =	sshll.u32 s0, $0x1;
	s12 =	smul.u32 $0xC8000, s8  }
0x8: {  	s1 =	rddreg [dreg:$0x2];
	s5 =	sor.u32 s8, s3;
	s14 =	smul.u32 $0x19000, s8  }
0x9: {  	s23 =	simm.s32 $0x0;
	[smem:$0x7FF] =	sst s2;
	s6 =	smul.u32 $0x1900, s5  }
0xa: {  	_ =	strace $0x80000047;
	s26 =	ssub.s32 $0x2, s8;
	s7 =	smul.u32 $0xC8000, s5  }
0xb: {  	s3 =	sadd.s32 $0x6A00, s4;
	s10 =	smul.u32 $0x19000, s5;
	s28 =	sshrl.u32 s26, $0x1  }
0xc: {  	s31 =	sadd.s32 s13, s9;
	s13 =	simm.s32 $0x1900;
	s30 =	sadd.s32 s12, s11  }
0xd: {  	s11 =	sadd.s32 s14, s31;
	s12 =	simm.s32 $0x80;
	s14 =	simm.s32 $0x5900  }
0xe: {  	s6 =	sshrl.u32 s6, $0x3;
	s7 =	sshrl.u32 s7, $0x3;
	s29 =	sadd.s32 s9, s10  }
0xf: {  	s10 =	sshrl.u32 s30, $0x3;
	s4 =	sadd.s32 s6, s4;
	s6 =	ssub.s32 s26, s28  }
0x10: {  	s7 =	sadd.s32 s9, s7;
	s8 =	sadd.s32 $0x17000, s29;
	s9 =	sadd.s32 s10, s9  }
0x11: {  	s10 =	sadd.s32 $0x1000, s11;
	s11 =	simm.s32 $0x3;
	s4 =	sadd.s32 $0x600, s4  }
0x12: {  	s5 =	sadd.s32 $0x18000, s7;
	s6 =	smax.u32 s6, $0x1;
	s7 =	sadd.s32 $0x16000, s7  }
.LBB2_1:
0x13: {  	[tilespmem:s2], [sflag:$0x3] =	stream.linear.gather [hbm4b:s4+s2], $0x1900, $0x38;
	[tilespmem:$0x11900] =	vst v63  }
0x14: {  	_ =	swait.ge [sflag:s11], $0x1900  }
0x15: {  	[sflag:s11] =	ssyncset.done $0x0  }
0x16: {  	[sflag:s11] =	ssyncadd.s32 $0xFFFFE700  }
0x17: {  	[tilespmem:s13], [sflag:$0x1] =	stream.indirect.gather [hbm4b:s3+s12], $0x80, s2, s12, $0xb8;
	[tilespmem:$0x11900] =	vst v63  }
0x18: {  	_ = 	snop  }
0x19: {  	[tilespmem:s14], [sflag:$0x1] =	stream.indirect.gather [hbm4b:s3+s12], $0x80, s12, s12, $0xb8;
	[tilespmem:$0x11900] =	vst v63  }
0x1a: {  	_ = 	snop  }
0x1b: {  	[tilespmem:s16], [sflag:$0x2] =	stream.indirect.gather [hbm4b:s3+s12], $0x80, s15, s12, $0xb8;
	[tilespmem:$0x11900] =	vst v63  }
0x1c: {  	_ = 	snop  }
0x1d: {  	[tilespmem:s18], [sflag:$0x2] =	stream.indirect.gather [hbm4b:s3+s12], $0x80, s17, s12, $0xb8;
	[tilespmem:$0x11900] =	vst v63  }
0x1e: {  	_ =	swait.ge [sflag:s19], $0x8000  }
0x1f: {  	[sflag:s19] =	ssyncset.done $0x0  }
0x20: {  	[sflag:s19] =	ssyncadd.s32 $0xFFFF8000  }
0x21: {  	[hbm4b:s9+s2] =	stream.linear.scatter [tilespmem:s13], [sflag:$0x3], $0x8000, $0x38;
	[tilespmem:$0x11900] =	vst v63  }
0x22: {  	_ =	swait.ge [sflag:s11], $0x8000  }
0x23: {  	[sflag:s11] =	ssyncset.done $0x0  }
0x24: {  	s24 =	simm.s32 $0x200;
	[sflag:s11] =	ssyncadd.s32 $0xFFFF8000  }
0x25: {  	[tilespmem:s13], [sflag:$0x1] =	stream.indirect.gather [hbm4b:s3+s12], $0x80, s24, s12, $0xb8;
	[tilespmem:$0x11900] =	vst v63  }
0x26: {  	s30 =	simm.s32 $0x280  }
0x27: {  	[tilespmem:s14], [sflag:$0x1] =	stream.indirect.gather [hbm4b:s3+s12], $0x80, s30, s12, $0xb8;
	[tilespmem:$0x11900] =	vst v63  }
0x28: {  	_ =	swait.ge [sflag:s20], $0x8000  }
0x29: {  	[sflag:s20] =	ssyncset.done $0x0  }
0x2a: {  	[sflag:s20] =	ssyncadd.s32 $0xFFFF8000  }
0x2b: {  	[hbm4b:s10+s2] =	stream.linear.scatter [tilespmem:s16], [sflag:$0x3], $0x8000, $0x38;
	[tilespmem:$0x11900] =	vst v63  }
0x2c: {  	s31 =	simm.s32 $0x300;
	_ =	swait.ge [sflag:s11], $0x8000  }
0x2d: {  	s28 =	simm.s32 $0x380;
	s25 =	sadd.s32 $0x2000, s9;
	[sflag:s11] =	ssyncset.done $0x0  }
0x2e: {  	s26 =	sadd.s32 $0x2000, s10;
	s24 =	simm.s32 $0x800;
	[sflag:s11] =	ssyncadd.s32 $0xFFFF8000  }
0x2f: {  	[tilespmem:s16], [sflag:$0x2] =	stream.indirect.gather [hbm4b:s3+s12], $0x80, s31, s12, $0xb8;
	[tilespmem:$0x11900] =	vst v63  }
.LBB2_2:
0x30: {  	[tilespmem:s18], [sflag:$0x2] =	stream.indirect.gather [hbm4b:s3+s12], $0x80, s28, s12, $0xb8;
	[tilespmem:$0x11900] =	vst v63  }
0x31: {  	s28 =	smov.u32 s24  }
0x32: {  	p0 =	sne.s32 s24, $0x5000;
	s24 =	sadd.s32 $0x800, s24;
	_ =	swait.ge [sflag:s19], $0x8000  }
0x33: {  	[sflag:s19] =	ssyncset.done $0x0  }
0x34: {  	[sflag:s19] =	ssyncadd.s32 $0xFFFF8000  }
0x35: {  	[hbm4b:s25+s2] =	stream.linear.scatter [tilespmem:s13], [sflag:$0x3], $0x8000, $0x38;
	[tilespmem:$0x11900] =	vst v63  }
0x36: {  	_ =	swait.ge [sflag:s11], $0x8000  }
0x37: {  	s28 =	sshra.s32 s28, $0x2;
	[sflag:s11] =	ssyncset.done $0x0  }
0x38: {  	s29 =	sadd.s32 $0x200, s28;
	[sflag:s11] =	ssyncadd.s32 $0xFFFF8000  }
0x39: {  	[tilespmem:s13], [sflag:$0x1] =	stream.indirect.gather [hbm4b:s3+s12], $0x80, s29, s12, $0xb8;
	[tilespmem:$0x11900] =	vst v63  }
0x3a: {  	s29 =	sadd.s32 $0x280, s28  }
0x3b: {  	[tilespmem:s14], [sflag:$0x1] =	stream.indirect.gather [hbm4b:s3+s12], $0x80, s29, s12, $0xb8;
	[tilespmem:$0x11900] =	vst v63  }
0x3c: {  	_ =	swait.ge [sflag:s20], $0x8000  }
0x3d: {  	[sflag:s20] =	ssyncset.done $0x0  }
0x3e: {  	[sflag:s20] =	ssyncadd.s32 $0xFFFF8000  }
0x3f: {  	[hbm4b:s26+s2] =	stream.linear.scatter [tilespmem:s16], [sflag:$0x3], $0x8000, $0x38;
	[tilespmem:$0x11900] =	vst v63  }
.Ltmp0:
0x40: {  	_ =	swait.ge [sflag:s11], $0x8000;
	(pc) =	sbr.rel @p0 .LBB2_2-.Ltmp0, $4  }
0x41: {  	[sflag:s11] =	ssyncset.done $0x0  }
0x42: {  	s29 =	sadd.s32 $0x300, s28;
	[sflag:s11] =	ssyncadd.s32 $0xFFFF8000  }
0x43: {  	[tilespmem:s16], [sflag:$0x2] =	stream.indirect.gather [hbm4b:s3+s12], $0x80, s29, s12, $0xb8;
	[tilespmem:$0x11900] =	vst v63  }
0x44: {  	s25 =	sadd.s32 $0x2000, s25;
	s28 =	sadd.s32 $0x380, s28;
	s26 =	sadd.s32 $0x2000, s26  }
0x45: {  	[tilespmem:s18], [sflag:$0x2] =	stream.indirect.gather [hbm4b:s3+s12], $0x80, s28, s12, $0xb8;
	[tilespmem:$0x11900] =	vst v63  }
0x46: {  	_ =	swait.ge [sflag:s19], $0x8000  }
0x47: {  	[sflag:s19] =	ssyncset.done $0x0  }
0x48: {  	[sflag:s19] =	ssyncadd.s32 $0xFFFF8000  }
0x49: {  	[hbm4b:s7+s2] =	stream.linear.scatter [tilespmem:s13], [sflag:$0x3], $0x8000, $0x38;
	[tilespmem:$0x11900] =	vst v63  }
0x4a: {  	_ =	swait.ge [sflag:s11], $0x8000  }
0x4b: {  	[sflag:s11] =	ssyncset.done $0x0  }
0x4c: {  	[sflag:s11] =	ssyncadd.s32 $0xFFFF8000  }
0x4d: {  	[tilespmem:s13], [sflag:$0x1] =	stream.indirect.gather [hbm4b:s3+s12], $0x80, s21, s12, $0xb8;
	[tilespmem:$0x11900] =	vst v63  }
0x4e: {  	_ = 	snop  }
0x4f: {  	[tilespmem:s14], [sflag:$0x1] =	stream.indirect.gather [hbm4b:s3+s12], $0x80, s22, s12, $0xb8;
	[tilespmem:$0x11900] =	vst v63  }
0x50: {  	_ =	swait.ge [sflag:s20], $0x8000  }
0x51: {  	[sflag:s20] =	ssyncset.done $0x0  }
0x52: {  	[sflag:s20] =	ssyncadd.s32 $0xFFFF8000  }
0x53: {  	[hbm4b:s8+s2] =	stream.linear.scatter [tilespmem:s16], [sflag:$0x3], $0x8000, $0x38;
	[tilespmem:$0x11900] =	vst v63  }
0x54: {  	_ =	swait.ge [sflag:s11], $0x8000  }
0x55: {  	[sflag:s11] =	ssyncset.done $0x0  }
0x56: {  	[sflag:s11] =	ssyncadd.s32 $0xFFFF8000  }
0x57: {  	s23 =	sadd.s32 $0x1, s23;
	_ =	swait.ge [sflag:s19], $0x8000  }
0x58: {  	p0 =	sne.s32 s23, s6;
	[sflag:s19] =	ssyncset.done $0x0  }
.Ltmp1:
0x59: {  	[sflag:s19] =	ssyncadd.s32 $0xFFFF8000;
	(pc) =	sbr.rel @p0 .LBB2_1-.Ltmp1, $4  }
0x5a: {  	[hbm4b:s5+s2] =	stream.linear.scatter [tilespmem:s13], [sflag:$0x3], $0x8000, $0x38;
	[tilespmem:$0x11900] =	vst v63  }
0x5b: {  	_ =	swait.ge [sflag:s11], $0x8000  }
0x5c: {  	[sflag:s11] =	ssyncset.done $0x0  }
0x5d: {  	[sflag:s11] =	ssyncadd.s32 $0xFFFF8000  }
0x5e: {  	_ =	sfence.sel $0x180000  }
0x5f: {  	[bflag:$0x0] =	sbarrier.arrive $0xFFFF  }
0x60: {  	p0 =	sne.s32 s0, $0x0;
	_ =	strace $0x90000047  }
0x61: {  	s0 =	sadd.s32 @!p0 $0x100000, s1;
	[bflag:$0x2] =	sbarrier.arrive $0xFFFF  }
0x62: {  	[sflag:s0] =	ssyncadd.tile.s32 @!p0 $0x1;
	_ =	shalt  }
.Lfunc_end2:
_tile_overlayer_lowered:
.L_overlay_start_2:
0x63: {  	(tag) =	ssettag $0x2  }
0x64: {  	s0 =	rddreg [dreg:$0x0];
	s2 =	stileid.u32  }
0x65: {  	s1 =	rddreg [dreg:$0x1];
	p0 =	sne.s32 s2, $0x0  }
0x66: {  	s3 =	rddreg [dreg:$0x2];
	[bflag:$0x3] =	sbarrier.arrive $0xFFFF;
	s2 =	simm.s32 @!p0 $0x1C03  }
0x67: {  	[timem:s3], [sflag:s2] =	dma.local @!p0 [hbm:s0], s1  }
0x68: {  	s0 =	simm.s32 @!p0 $0x3  }
0x69: {  	_ =	swait.ge @!p0 [sflag:s0], s1  }
0x6a: {  	s1 =	ssub.s32 @!p0 $0x0, s1;
	[sflag:s0] =	ssyncset.done @!p0 $0x0  }
0x6b: {  	[sflag:s0] =	ssyncadd.s32 @!p0 s1  }
0x6c: {  	[bflag:$0x3] =	sbarrier.arrive $0xFFFF  }
0x6d: {  	_ =	shalt  }

</sc_bundles>
